<compile_context>
chip_gen: v7x
topology: tpu7x:2x2x1
jax: 0.10.2.dev20260603
libtpu: 0.0.44.dev20260713+nightly
codegen_flags: <defaults>
</compile_context>

<pallas_src>
import functools
import jax
import jax.numpy as jnp
from jax import lax
from jax.experimental import pallas as pl
from jax.experimental.pallas import tpu as pltpu
from jax.experimental.pallas import tpu_sc as plsc

VOCAB = 100000
ROWS = 512
NC = 2
NS = 16
NW = NC * NS
ROWS_PER_W = ROWS // NW


def _sc_body(pred_hbm, val_hbm, out_hbm, rowbuf, pred_v, val_v, patch_v,
             idx_v, sem, psem):
    c = lax.axis_index("c")
    s = lax.axis_index("s")
    wid = s * NC + c
    base = wid * ROWS_PER_W
    pltpu.sync_copy(pred_hbm.at[pl.ds(base, ROWS_PER_W)], pred_v)
    pltpu.sync_copy(val_hbm.at[pl.ds(base, ROWS_PER_W)], val_v)

    neg50 = jnp.full((16,), -50.0, dtype=jnp.float32)

    def fill(i, carry):
        rowbuf[pl.ds(i * 16, 16)] = neg50
        return carry

    lax.fori_loop(0, VOCAB // 16, fill, 0, unroll=8)

    lanes = lax.iota(jnp.int32, 16)
    patch_v[...] = 50.0 * val_v[...]
    idx_v[...] = (base + lanes) * VOCAB + pred_v[...]

    copies = []
    for j in range(ROWS_PER_W):
        copies.append(pltpu.make_async_copy(
            rowbuf, out_hbm.at[pl.ds((base + j) * VOCAB, VOCAB)], sem))
    for cp in copies:
        cp.start()
    for cp in copies:
        cp.wait()

    patch = pltpu.make_async_copy(patch_v, out_hbm.at[idx_v], psem)
    patch.start()
    patch.wait()


def kernel(input_ids, val):
    B, S = input_ids.shape
    pred = input_ids.reshape(ROWS)
    val1 = val.reshape(ROWS)
    k = functools.partial(
        pl.kernel,
        out_type=jax.ShapeDtypeStruct((ROWS * VOCAB,), jnp.float32),
        mesh=plsc.VectorSubcoreMesh(core_axis_name="c", subcore_axis_name="s"),
        scratch_types=[
            pltpu.VMEM((VOCAB,), jnp.float32),
            pltpu.VMEM((ROWS_PER_W,), jnp.int32),
            pltpu.VMEM((ROWS_PER_W,), jnp.float32),
            pltpu.VMEM((ROWS_PER_W,), jnp.float32),
            pltpu.VMEM((ROWS_PER_W,), jnp.int32),
            pltpu.SemaphoreType.DMA,
            pltpu.SemaphoreType.DMA,
        ],
    )(_sc_body)
    out = k(pred, val1)
    return out.reshape(B, S, VOCAB)

# --- scband reference (transcript-rebuilt; emitter-appended) ---
"""Pipeline reference for scband-toy-base-lm-25855703122339 (READ-ONLY COPY).

The authoritative reference and input builder live on the scoring server;
editing this copy changes nothing except your own understanding.
"""

import jax, jax.numpy as jnp
import numpy as np

VOCAB_SIZE = 100000
BATCH = 8
SEQ = 64


def setup_inputs(seed: int = 0) -> dict:
    key = jax.random.key(seed)
    k1, k2 = jax.random.split(key)
    input_ids = jax.random.randint(k1, (BATCH, SEQ), 0, VOCAB_SIZE, dtype=jnp.int32)
    val = jnp.ones((BATCH, SEQ), dtype=jnp.float32)
    return {"input_ids": input_ids, "val": val}


def reference(input_ids, val):
    # _ToyBaseLM.forward: predict_from_input is abstract; toy concretization is the
    # identity predictor (predictions = input_ids), then _build_logits scatters
    # 50.0 into a [-50.0]-filled [B, S, V] tensor at the predicted token id.
    if input_ids.ndim != 2:
        raise ValueError(f"expected [batch, seq] input_ids, got {tuple(input_ids.shape)}")
    predictions = input_ids
    B, S = predictions.shape
    logits = jnp.full((B, S, VOCAB_SIZE), -50.0, dtype=jnp.float32)
    b = jnp.arange(B)[:, None]
    s = jnp.arange(S)[None, :]
    # scatter-overwrite along vocab dim (torch: logits.scatter_(2, preds[..., None], 50.0))
    # val is an all-ones float carrier so the scatter value participates in autodiff;
    # forward output is numerically identical to the torch module.
    logits = logits.at[b, s, predictions].set(50.0 * val)
    return logits

if __name__ == "__main__":
    import jax
    _d = setup_inputs()
    print(jax.jit(kernel)(*tuple(_d.values())))

</pallas_src>

<mosaic_0001>
#map = affine_map<(d0, d1) -> (0)>
module attributes {stable_mosaic.version = 14 : i64} {
  func.func @_sc_body(%arg0: i32, %arg1: i32, %arg2: memref<512xi32, #tpu.memory_space<hbm>>, %arg3: memref<512xf32, #tpu.memory_space<hbm>>, %arg4: memref<51200000xf32, #tpu.memory_space<hbm>>, %arg5: memref<100000xf32, #tpu.memory_space<vmem>>, %arg6: memref<16xi32, #tpu.memory_space<vmem>>, %arg7: memref<16xf32, #tpu.memory_space<vmem>>, %arg8: memref<16xf32, #tpu.memory_space<vmem>>, %arg9: memref<16xi32, #tpu.memory_space<vmem>>, %arg10: memref<!tpu.dma_semaphore, #tpu.memory_space<semaphore_mem>>, %arg11: memref<!tpu.dma_semaphore, #tpu.memory_space<semaphore_mem>>) attributes {dimension_semantics = [#tpu.dimension_semantics<core_parallel>, #tpu.dimension_semantics<subcore_parallel>], iteration_bounds = array<i64: 2, 16>, scalar_prefetch = 0 : i64, scratch_operands = 7 : i64, tpu.core_type = #tpu.core_type<sc_vector_subcore>, window_params = [{transform_indices = #map}, {transform_indices = #map}, {transform_indices = #map}]} {
    %mul3A = arith.constant 2 : i32
    %mul3A_0 = arith.muli %arg1, %mul3A : i32
    %add3A = arith.addi %mul3A_0, %arg0 : i32
    %mul3A_1 = arith.constant 16 : i32
    %mul3A_2 = arith.muli %add3A, %mul3A_1 : i32
    "tpu.region"() ({
      %run_scoped3A = tpu.sem_alloc : memref<!tpu.dma_semaphore, #tpu.memory_space<semaphore_mem>>
      %dma_start3A_176 = tpu.memref_slice %arg2[%mul3A_2] : memref<512xi32, #tpu.memory_space<hbm>> -> memref<16xi32, #tpu.memory_space<hbm>>
      %dma_start3A_177 = tpu.memref_slice %arg2[%mul3A_2] : memref<512xi32, #tpu.memory_space<hbm>> -> memref<16xi32, #tpu.memory_space<hbm>>
      tpu.enqueue_dma source(%dma_start3A_177 : memref<16xi32, #tpu.memory_space<hbm>>) target(%arg6 : memref<16xi32, #tpu.memory_space<vmem>>) target_semaphore(%run_scoped3A : memref<!tpu.dma_semaphore, #tpu.memory_space<semaphore_mem>>)
      %dma_wait3A_178 = tpu.memref_slice %arg2[%mul3A_2] : memref<512xi32, #tpu.memory_space<hbm>> -> memref<16xi32, #tpu.memory_space<hbm>>
      %dma_wait3A_179 = tpu.memref_slice %arg2[%mul3A_2] : memref<512xi32, #tpu.memory_space<hbm>> -> memref<16xi32, #tpu.memory_space<hbm>>
      tpu.wait_dma2 semaphore(%run_scoped3A : memref<!tpu.dma_semaphore, #tpu.memory_space<semaphore_mem>>) src(%dma_wait3A_179 : memref<16xi32, #tpu.memory_space<hbm>>) dst(%arg6 : memref<16xi32, #tpu.memory_space<vmem>>)
      tpu.yield
    }) : () -> ()
    "tpu.region"() ({
      %run_scoped3A = tpu.sem_alloc : memref<!tpu.dma_semaphore, #tpu.memory_space<semaphore_mem>>
      %dma_start3A_176 = tpu.memref_slice %arg3[%mul3A_2] : memref<512xf32, #tpu.memory_space<hbm>> -> memref<16xf32, #tpu.memory_space<hbm>>
      %dma_start3A_177 = tpu.memref_slice %arg3[%mul3A_2] : memref<512xf32, #tpu.memory_space<hbm>> -> memref<16xf32, #tpu.memory_space<hbm>>
      tpu.enqueue_dma source(%dma_start3A_177 : memref<16xf32, #tpu.memory_space<hbm>>) target(%arg7 : memref<16xf32, #tpu.memory_space<vmem>>) target_semaphore(%run_scoped3A : memref<!tpu.dma_semaphore, #tpu.memory_space<semaphore_mem>>)
      %dma_wait3A_178 = tpu.memref_slice %arg3[%mul3A_2] : memref<512xf32, #tpu.memory_space<hbm>> -> memref<16xf32, #tpu.memory_space<hbm>>
      %dma_wait3A_179 = tpu.memref_slice %arg3[%mul3A_2] : memref<512xf32, #tpu.memory_space<hbm>> -> memref<16xf32, #tpu.memory_space<hbm>>
      tpu.wait_dma2 semaphore(%run_scoped3A : memref<!tpu.dma_semaphore, #tpu.memory_space<semaphore_mem>>) src(%dma_wait3A_179 : memref<16xf32, #tpu.memory_space<hbm>>) dst(%arg7 : memref<16xf32, #tpu.memory_space<vmem>>)
      tpu.yield
    }) : () -> ()
    %broadcast_in_dim3A = arith.constant -5.000000e+01 : f32
    %broadcast_in_dim3A_3 = vector.broadcast %broadcast_in_dim3A : f32 to vector<16xf32>
    %scan3A = arith.constant 0 : i32
    %scan3A_4 = arith.constant 0 : i32
    %scan3A_5 = arith.constant 6248 : i32
    %scan3A_6 = arith.addi %scan3A_4, %scan3A_5 : i32
    %scan3A_7 = arith.constant 8 : i32
    scf.for %scan3A_176 = %scan3A_4 to %scan3A_6 step %scan3A_7  : i32 {
      %mul3A_177 = arith.constant 16 : i32
      %mul3A_178 = arith.muli %scan3A_176, %mul3A_177 : i32
      %swap3A_179 = arith.index_cast %mul3A_178 : i32 to index
      %swap3A_180 = tpu.vector_load %arg5[%swap3A_179] {strides = array<i32>} : memref<100000xf32, #tpu.memory_space<vmem>>, vector<16xf32>,
      %swap3A_181 = vector.shape_cast %swap3A_180 : vector<16xf32> to vector<16xf32>
      %swap3A_182 = vector.shape_cast %broadcast_in_dim3A_3 : vector<16xf32> to vector<16xf32>
      tpu.vector_store %arg5[%swap3A_179], %swap3A_182 {strides = array<i32>} : memref<100000xf32, #tpu.memory_space<vmem>>, vector<16xf32>,
      %scan3A_183 = arith.constant 1 : i32
      %scan3A_184 = arith.addi %scan3A_176, %scan3A_183 : i32
      %mul3A_185 = arith.constant 16 : i32
      %mul3A_186 = arith.muli %scan3A_184, %mul3A_185 : i32
      %swap3A_187 = arith.index_cast %mul3A_186 : i32 to index
      %swap3A_188 = tpu.vector_load %arg5[%swap3A_187] {strides = array<i32>} : memref<100000xf32, #tpu.memory_space<vmem>>, vector<16xf32>,
      %swap3A_189 = vector.shape_cast %swap3A_188 : vector<16xf32> to vector<16xf32>
      %swap3A_190 = vector.shape_cast %broadcast_in_dim3A_3 : vector<16xf32> to vector<16xf32>
      tpu.vector_store %arg5[%swap3A_187], %swap3A_190 {strides = array<i32>} : memref<100000xf32, #tpu.memory_space<vmem>>, vector<16xf32>,
      %scan3A_191 = arith.constant 2 : i32
      %scan3A_192 = arith.addi %scan3A_176, %scan3A_191 : i32
      %mul3A_193 = arith.constant 16 : i32
      %mul3A_194 = arith.muli %scan3A_192, %mul3A_193 : i32
      %swap3A_195 = arith.index_cast %mul3A_194 : i32 to index
      %swap3A_196 = tpu.vector_load %arg5[%swap3A_195] {strides = array<i32>} : memref<100000xf32, #tpu.memory_space<vmem>>, vector<16xf32>,
      %swap3A_197 = vector.shape_cast %swap3A_196 : vector<16xf32> to vector<16xf32>
      %swap3A_198 = vector.shape_cast %broadcast_in_dim3A_3 : vector<16xf32> to vector<16xf32>
      tpu.vector_store %arg5[%swap3A_195], %swap3A_198 {strides = array<i32>} : memref<100000xf32, #tpu.memory_space<vmem>>, vector<16xf32>,
      %scan3A_199 = arith.constant 3 : i32
      %scan3A_200 = arith.addi %scan3A_176, %scan3A_199 : i32
      %mul3A_201 = arith.constant 16 : i32
      %mul3A_202 = arith.muli %scan3A_200, %mul3A_201 : i32
      %swap3A_203 = arith.index_cast %mul3A_202 : i32 to index
      %swap3A_204 = tpu.vector_load %arg5[%swap3A_203] {strides = array<i32>} : memref<100000xf32, #tpu.memory_space<vmem>>, vector<16xf32>,
      %swap3A_205 = vector.shape_cast %swap3A_204 : vector<16xf32> to vector<16xf32>
      %swap3A_206 = vector.shape_cast %broadcast_in_dim3A_3 : vector<16xf32> to vector<16xf32>
      tpu.vector_store %arg5[%swap3A_203], %swap3A_206 {strides = array<i32>} : memref<100000xf32, #tpu.memory_space<vmem>>, vector<16xf32>,
      %scan3A_207 = arith.constant 4 : i32
      %scan3A_208 = arith.addi %scan3A_176, %scan3A_207 : i32
      %mul3A_209 = arith.constant 16 : i32
      %mul3A_210 = arith.muli %scan3A_208, %mul3A_209 : i32
      %swap3A_211 = arith.index_cast %mul3A_210 : i32 to index
      %swap3A_212 = tpu.vector_load %arg5[%swap3A_211] {strides = array<i32>} : memref<100000xf32, #tpu.memory_space<vmem>>, vector<16xf32>,
      %swap3A_213 = vector.shape_cast %swap3A_212 : vector<16xf32> to vector<16xf32>
      %swap3A_214 = vector.shape_cast %broadcast_in_dim3A_3 : vector<16xf32> to vector<16xf32>
      tpu.vector_store %arg5[%swap3A_211], %swap3A_214 {strides = array<i32>} : memref<100000xf32, #tpu.memory_space<vmem>>, vector<16xf32>,
      %scan3A_215 = arith.constant 5 : i32
      %scan3A_216 = arith.addi %scan3A_176, %scan3A_215 : i32
      %mul3A_217 = arith.constant 16 : i32
      %mul3A_218 = arith.muli %scan3A_216, %mul3A_217 : i32
      %swap3A_219 = arith.index_cast %mul3A_218 : i32 to index
      %swap3A_220 = tpu.vector_load %arg5[%swap3A_219] {strides = array<i32>} : memref<100000xf32, #tpu.memory_space<vmem>>, vector<16xf32>,
      %swap3A_221 = vector.shape_cast %swap3A_220 : vector<16xf32> to vector<16xf32>
      %swap3A_222 = vector.shape_cast %broadcast_in_dim3A_3 : vector<16xf32> to vector<16xf32>
      tpu.vector_store %arg5[%swap3A_219], %swap3A_222 {strides = array<i32>} : memref<100000xf32, #tpu.memory_space<vmem>>, vector<16xf32>,
      %scan3A_223 = arith.constant 6 : i32
      %scan3A_224 = arith.addi %scan3A_176, %scan3A_223 : i32
      %mul3A_225 = arith.constant 16 : i32
      %mul3A_226 = arith.muli %scan3A_224, %mul3A_225 : i32
      %swap3A_227 = arith.index_cast %mul3A_226 : i32 to index
      %swap3A_228 = tpu.vector_load %arg5[%swap3A_227] {strides = array<i32>} : memref<100000xf32, #tpu.memory_space<vmem>>, vector<16xf32>,
      %swap3A_229 = vector.shape_cast %swap3A_228 : vector<16xf32> to vector<16xf32>
      %swap3A_230 = vector.shape_cast %broadcast_in_dim3A_3 : vector<16xf32> to vector<16xf32>
      tpu.vector_store %arg5[%swap3A_227], %swap3A_230 {strides = array<i32>} : memref<100000xf32, #tpu.memory_space<vmem>>, vector<16xf32>,
      %scan3A_231 = arith.constant 7 : i32
      %scan3A_232 = arith.addi %scan3A_176, %scan3A_231 : i32
      %mul3A_233 = arith.constant 16 : i32
      %mul3A_234 = arith.muli %scan3A_232, %mul3A_233 : i32
      %swap3A_235 = arith.index_cast %mul3A_234 : i32 to index
      %swap3A_236 = tpu.vector_load %arg5[%swap3A_235] {strides = array<i32>} : memref<100000xf32, #tpu.memory_space<vmem>>, vector<16xf32>,
      %swap3A_237 = vector.shape_cast %swap3A_236 : vector<16xf32> to vector<16xf32>
      %swap3A_238 = vector.shape_cast %broadcast_in_dim3A_3 : vector<16xf32> to vector<16xf32>
      tpu.vector_store %arg5[%swap3A_235], %swap3A_238 {strides = array<i32>} : memref<100000xf32, #tpu.memory_space<vmem>>, vector<16xf32>,
    }
    %scan3A_8 = arith.constant 6248 : i32
    %scan3A_9 = arith.addi %scan3A_4, %scan3A_8 : i32
    %mul3A_10 = arith.constant 16 : i32
    %mul3A_11 = arith.muli %scan3A_9, %mul3A_10 : i32
    %swap3A = arith.index_cast %mul3A_11 : i32 to index
    %swap3A_12 = tpu.vector_load %arg5[%swap3A] {strides = array<i32>} : memref<100000xf32, #tpu.memory_space<vmem>>, vector<16xf32>,
    %swap3A_13 = vector.shape_cast %swap3A_12 : vector<16xf32> to vector<16xf32>
    %swap3A_14 = vector.shape_cast %broadcast_in_dim3A_3 : vector<16xf32> to vector<16xf32>
    tpu.vector_store %arg5[%swap3A], %swap3A_14 {strides = array<i32>} : memref<100000xf32, #tpu.memory_space<vmem>>, vector<16xf32>,
    %scan3A_15 = arith.constant 6249 : i32
    %scan3A_16 = arith.addi %scan3A_4, %scan3A_15 : i32
    %mul3A_17 = arith.constant 16 : i32
    %mul3A_18 = arith.muli %scan3A_16, %mul3A_17 : i32
    %swap3A_19 = arith.index_cast %mul3A_18 : i32 to index
    %swap3A_20 = tpu.vector_load %arg5[%swap3A_19] {strides = array<i32>} : memref<100000xf32, #tpu.memory_space<vmem>>, vector<16xf32>,
    %swap3A_21 = vector.shape_cast %swap3A_20 : vector<16xf32> to vector<16xf32>
    %swap3A_22 = vector.shape_cast %broadcast_in_dim3A_3 : vector<16xf32> to vector<16xf32>
    tpu.vector_store %arg5[%swap3A_19], %swap3A_22 {strides = array<i32>} : memref<100000xf32, #tpu.memory_space<vmem>>, vector<16xf32>,
    %scan3A_23 = arith.constant 6250 : i32
    %iota3A = tpu.iota {dimensions = array<i32: 0>} : vector<16xi32>
    %get3A = arith.constant 0 : index
    %get3A_24 = tpu.vector_load %arg7[%get3A] {strides = array<i32>} : memref<16xf32, #tpu.memory_space<vmem>>, vector<16xf32>,
    %get3A_25 = vector.shape_cast %get3A_24 : vector<16xf32> to vector<16xf32>
    %mul3A_26 = arith.constant 5.000000e+01 : f32
    %mul3A_27 = vector.broadcast %mul3A_26 : f32 to vector<16xf32>
    %mul3A_28 = arith.mulf %mul3A_27, %get3A_25 : vector<16xf32>
    %swap3A_29 = arith.constant 0 : index
    %swap3A_30 = tpu.vector_load %arg8[%swap3A_29] {strides = array<i32>} : memref<16xf32, #tpu.memory_space<vmem>>, vector<16xf32>,
    %swap3A_31 = vector.shape_cast %swap3A_30 : vector<16xf32> to vector<16xf32>
    %swap3A_32 = vector.shape_cast %mul3A_28 : vector<16xf32> to vector<16xf32>
    tpu.vector_store %arg8[%swap3A_29], %swap3A_32 {strides = array<i32>} : memref<16xf32, #tpu.memory_space<vmem>>, vector<16xf32>,
    %add3A_33 = vector.broadcast %mul3A_2 : i32 to vector<16xi32>
    %add3A_34 = arith.addi %add3A_33, %iota3A : vector<16xi32>
    %mul3A_35 = arith.constant 100000 : i32
    %mul3A_36 = vector.broadcast %mul3A_35 : i32 to vector<16xi32>
    %mul3A_37 = arith.muli %add3A_34, %mul3A_36 : vector<16xi32>
    %get3A_38 = arith.constant 0 : index
    %get3A_39 = tpu.vector_load %arg6[%get3A_38] {strides = array<i32>} : memref<16xi32, #tpu.memory_space<vmem>>, vector<16xi32>,
    %get3A_40 = vector.shape_cast %get3A_39 : vector<16xi32> to vector<16xi32>
    %add3A_41 = arith.addi %mul3A_37, %get3A_40 : vector<16xi32>
    %swap3A_42 = arith.constant 0 : index
    %swap3A_43 = tpu.vector_load %arg9[%swap3A_42] {strides = array<i32>} : memref<16xi32, #tpu.memory_space<vmem>>, vector<16xi32>,
    %swap3A_44 = vector.shape_cast %swap3A_43 : vector<16xi32> to vector<16xi32>
    %swap3A_45 = vector.shape_cast %add3A_41 : vector<16xi32> to vector<16xi32>
    tpu.vector_store %arg9[%swap3A_42], %swap3A_45 {strides = array<i32>} : memref<16xi32, #tpu.memory_space<vmem>>, vector<16xi32>,
    %add3A_46 = arith.constant 0 : i32
    %add3A_47 = arith.addi %mul3A_2, %add3A_46 : i32
    %mul3A_48 = arith.constant 100000 : i32
    %mul3A_49 = arith.muli %add3A_47, %mul3A_48 : i32
    %add3A_50 = arith.constant 1 : i32
    %add3A_51 = arith.addi %mul3A_2, %add3A_50 : i32
    %mul3A_52 = arith.constant 100000 : i32
    %mul3A_53 = arith.muli %add3A_51, %mul3A_52 : i32
    %add3A_54 = arith.constant 2 : i32
    %add3A_55 = arith.addi %mul3A_2, %add3A_54 : i32
    %mul3A_56 = arith.constant 100000 : i32
    %mul3A_57 = arith.muli %add3A_55, %mul3A_56 : i32
    %add3A_58 = arith.constant 3 : i32
    %add3A_59 = arith.addi %mul3A_2, %add3A_58 : i32
    %mul3A_60 = arith.constant 100000 : i32
    %mul3A_61 = arith.muli %add3A_59, %mul3A_60 : i32
    %add3A_62 = arith.constant 4 : i32
    %add3A_63 = arith.addi %mul3A_2, %add3A_62 : i32
    %mul3A_64 = arith.constant 100000 : i32
    %mul3A_65 = arith.muli %add3A_63, %mul3A_64 : i32
    %add3A_66 = arith.constant 5 : i32
    %add3A_67 = arith.addi %mul3A_2, %add3A_66 : i32
    %mul3A_68 = arith.constant 100000 : i32
    %mul3A_69 = arith.muli %add3A_67, %mul3A_68 : i32
    %add3A_70 = arith.constant 6 : i32
    %add3A_71 = arith.addi %mul3A_2, %add3A_70 : i32
    %mul3A_72 = arith.constant 100000 : i32
    %mul3A_73 = arith.muli %add3A_71, %mul3A_72 : i32
    %add3A_74 = arith.constant 7 : i32
    %add3A_75 = arith.addi %mul3A_2, %add3A_74 : i32
    %mul3A_76 = arith.constant 100000 : i32
    %mul3A_77 = arith.muli %add3A_75, %mul3A_76 : i32
    %add3A_78 = arith.constant 8 : i32
    %add3A_79 = arith.addi %mul3A_2, %add3A_78 : i32
    %mul3A_80 = arith.constant 100000 : i32
    %mul3A_81 = arith.muli %add3A_79, %mul3A_80 : i32
    %add3A_82 = arith.constant 9 : i32
    %add3A_83 = arith.addi %mul3A_2, %add3A_82 : i32
    %mul3A_84 = arith.constant 100000 : i32
    %mul3A_85 = arith.muli %add3A_83, %mul3A_84 : i32
    %add3A_86 = arith.constant 10 : i32
    %add3A_87 = arith.addi %mul3A_2, %add3A_86 : i32
    %mul3A_88 = arith.constant 100000 : i32
    %mul3A_89 = arith.muli %add3A_87, %mul3A_88 : i32
    %add3A_90 = arith.constant 11 : i32
    %add3A_91 = arith.addi %mul3A_2, %add3A_90 : i32
    %mul3A_92 = arith.constant 100000 : i32
    %mul3A_93 = arith.muli %add3A_91, %mul3A_92 : i32
    %add3A_94 = arith.constant 12 : i32
    %add3A_95 = arith.addi %mul3A_2, %add3A_94 : i32
    %mul3A_96 = arith.constant 100000 : i32
    %mul3A_97 = arith.muli %add3A_95, %mul3A_96 : i32
    %add3A_98 = arith.constant 13 : i32
    %add3A_99 = arith.addi %mul3A_2, %add3A_98 : i32
    %mul3A_100 = arith.constant 100000 : i32
    %mul3A_101 = arith.muli %add3A_99, %mul3A_100 : i32
    %add3A_102 = arith.constant 14 : i32
    %add3A_103 = arith.addi %mul3A_2, %add3A_102 : i32
    %mul3A_104 = arith.constant 100000 : i32
    %mul3A_105 = arith.muli %add3A_103, %mul3A_104 : i32
    %add3A_106 = arith.constant 15 : i32
    %add3A_107 = arith.addi %mul3A_2, %add3A_106 : i32
    %mul3A_108 = arith.constant 100000 : i32
    %mul3A_109 = arith.muli %add3A_107, %mul3A_108 : i32
    %dma_start3A = tpu.memref_slice %arg4[%mul3A_49] : memref<51200000xf32, #tpu.memory_space<hbm>> -> memref<100000xf32, #tpu.memory_space<hbm>>
    %dma_start3A_110 = tpu.memref_slice %arg4[%mul3A_49] : memref<51200000xf32, #tpu.memory_space<hbm>> -> memref<100000xf32, #tpu.memory_space<hbm>>
    tpu.enqueue_dma source(%arg5 : memref<100000xf32, #tpu.memory_space<vmem>>) target(%dma_start3A_110 : memref<100000xf32, #tpu.memory_space<hbm>>) target_semaphore(%arg10 : memref<!tpu.dma_semaphore, #tpu.memory_space<semaphore_mem>>)
    %dma_start3A_111 = tpu.memref_slice %arg4[%mul3A_53] : memref<51200000xf32, #tpu.memory_space<hbm>> -> memref<100000xf32, #tpu.memory_space<hbm>>
    %dma_start3A_112 = tpu.memref_slice %arg4[%mul3A_53] : memref<51200000xf32, #tpu.memory_space<hbm>> -> memref<100000xf32, #tpu.memory_space<hbm>>
    tpu.enqueue_dma source(%arg5 : memref<100000xf32, #tpu.memory_space<vmem>>) target(%dma_start3A_112 : memref<100000xf32, #tpu.memory_space<hbm>>) target_semaphore(%arg10 : memref<!tpu.dma_semaphore, #tpu.memory_space<semaphore_mem>>)
    %dma_start3A_113 = tpu.memref_slice %arg4[%mul3A_57] : memref<51200000xf32, #tpu.memory_space<hbm>> -> memref<100000xf32, #tpu.memory_space<hbm>>
    %dma_start3A_114 = tpu.memref_slice %arg4[%mul3A_57] : memref<51200000xf32, #tpu.memory_space<hbm>> -> memref<100000xf32, #tpu.memory_space<hbm>>
    tpu.enqueue_dma source(%arg5 : memref<100000xf32, #tpu.memory_space<vmem>>) target(%dma_start3A_114 : memref<100000xf32, #tpu.memory_space<hbm>>) target_semaphore(%arg10 : memref<!tpu.dma_semaphore, #tpu.memory_space<semaphore_mem>>)
    %dma_start3A_115 = tpu.memref_slice %arg4[%mul3A_61] : memref<51200000xf32, #tpu.memory_space<hbm>> -> memref<100000xf32, #tpu.memory_space<hbm>>
    %dma_start3A_116 = tpu.memref_slice %arg4[%mul3A_61] : memref<51200000xf32, #tpu.memory_space<hbm>> -> memref<100000xf32, #tpu.memory_space<hbm>>
    tpu.enqueue_dma source(%arg5 : memref<100000xf32, #tpu.memory_space<vmem>>) target(%dma_start3A_116 : memref<100000xf32, #tpu.memory_space<hbm>>) target_semaphore(%arg10 : memref<!tpu.dma_semaphore, #tpu.memory_space<semaphore_mem>>)
    %dma_start3A_117 = tpu.memref_slice %arg4[%mul3A_65] : memref<51200000xf32, #tpu.memory_space<hbm>> -> memref<100000xf32, #tpu.memory_space<hbm>>
    %dma_start3A_118 = tpu.memref_slice %arg4[%mul3A_65] : memref<51200000xf32, #tpu.memory_space<hbm>> -> memref<100000xf32, #tpu.memory_space<hbm>>
    tpu.enqueue_dma source(%arg5 : memref<100000xf32, #tpu.memory_space<vmem>>) target(%dma_start3A_118 : memref<100000xf32, #tpu.memory_space<hbm>>) target_semaphore(%arg10 : memref<!tpu.dma_semaphore, #tpu.memory_space<semaphore_mem>>)
    %dma_start3A_119 = tpu.memref_slice %arg4[%mul3A_69] : memref<51200000xf32, #tpu.memory_space<hbm>> -> memref<100000xf32, #tpu.memory_space<hbm>>
    %dma_start3A_120 = tpu.memref_slice %arg4[%mul3A_69] : memref<51200000xf32, #tpu.memory_space<hbm>> -> memref<100000xf32, #tpu.memory_space<hbm>>
    tpu.enqueue_dma source(%arg5 : memref<100000xf32, #tpu.memory_space<vmem>>) target(%dma_start3A_120 : memref<100000xf32, #tpu.memory_space<hbm>>) target_semaphore(%arg10 : memref<!tpu.dma_semaphore, #tpu.memory_space<semaphore_mem>>)
    %dma_start3A_121 = tpu.memref_slice %arg4[%mul3A_73] : memref<51200000xf32, #tpu.memory_space<hbm>> -> memref<100000xf32, #tpu.memory_space<hbm>>
    %dma_start3A_122 = tpu.memref_slice %arg4[%mul3A_73] : memref<51200000xf32, #tpu.memory_space<hbm>> -> memref<100000xf32, #tpu.memory_space<hbm>>
    tpu.enqueue_dma source(%arg5 : memref<100000xf32, #tpu.memory_space<vmem>>) target(%dma_start3A_122 : memref<100000xf32, #tpu.memory_space<hbm>>) target_semaphore(%arg10 : memref<!tpu.dma_semaphore, #tpu.memory_space<semaphore_mem>>)
    %dma_start3A_123 = tpu.memref_slice %arg4[%mul3A_77] : memref<51200000xf32, #tpu.memory_space<hbm>> -> memref<100000xf32, #tpu.memory_space<hbm>>
    %dma_start3A_124 = tpu.memref_slice %arg4[%mul3A_77] : memref<51200000xf32, #tpu.memory_space<hbm>> -> memref<100000xf32, #tpu.memory_space<hbm>>
    tpu.enqueue_dma source(%arg5 : memref<100000xf32, #tpu.memory_space<vmem>>) target(%dma_start3A_124 : memref<100000xf32, #tpu.memory_space<hbm>>) target_semaphore(%arg10 : memref<!tpu.dma_semaphore, #tpu.memory_space<semaphore_mem>>)
    %dma_start3A_125 = tpu.memref_slice %arg4[%mul3A_81] : memref<51200000xf32, #tpu.memory_space<hbm>> -> memref<100000xf32, #tpu.memory_space<hbm>>
    %dma_start3A_126 = tpu.memref_slice %arg4[%mul3A_81] : memref<51200000xf32, #tpu.memory_space<hbm>> -> memref<100000xf32, #tpu.memory_space<hbm>>
    tpu.enqueue_dma source(%arg5 : memref<100000xf32, #tpu.memory_space<vmem>>) target(%dma_start3A_126 : memref<100000xf32, #tpu.memory_space<hbm>>) target_semaphore(%arg10 : memref<!tpu.dma_semaphore, #tpu.memory_space<semaphore_mem>>)
    %dma_start3A_127 = tpu.memref_slice %arg4[%mul3A_85] : memref<51200000xf32, #tpu.memory_space<hbm>> -> memref<100000xf32, #tpu.memory_space<hbm>>
    %dma_start3A_128 = tpu.memref_slice %arg4[%mul3A_85] : memref<51200000xf32, #tpu.memory_space<hbm>> -> memref<100000xf32, #tpu.memory_space<hbm>>
    tpu.enqueue_dma source(%arg5 : memref<100000xf32, #tpu.memory_space<vmem>>) target(%dma_start3A_128 : memref<100000xf32, #tpu.memory_space<hbm>>) target_semaphore(%arg10 : memref<!tpu.dma_semaphore, #tpu.memory_space<semaphore_mem>>)
    %dma_start3A_129 = tpu.memref_slice %arg4[%mul3A_89] : memref<51200000xf32, #tpu.memory_space<hbm>> -> memref<100000xf32, #tpu.memory_space<hbm>>
    %dma_start3A_130 = tpu.memref_slice %arg4[%mul3A_89] : memref<51200000xf32, #tpu.memory_space<hbm>> -> memref<100000xf32, #tpu.memory_space<hbm>>
    tpu.enqueue_dma source(%arg5 : memref<100000xf32, #tpu.memory_space<vmem>>) target(%dma_start3A_130 : memref<100000xf32, #tpu.memory_space<hbm>>) target_semaphore(%arg10 : memref<!tpu.dma_semaphore, #tpu.memory_space<semaphore_mem>>)
    %dma_start3A_131 = tpu.memref_slice %arg4[%mul3A_93] : memref<51200000xf32, #tpu.memory_space<hbm>> -> memref<100000xf32, #tpu.memory_space<hbm>>
    %dma_start3A_132 = tpu.memref_slice %arg4[%mul3A_93] : memref<51200000xf32, #tpu.memory_space<hbm>> -> memref<100000xf32, #tpu.memory_space<hbm>>
    tpu.enqueue_dma source(%arg5 : memref<100000xf32, #tpu.memory_space<vmem>>) target(%dma_start3A_132 : memref<100000xf32, #tpu.memory_space<hbm>>) target_semaphore(%arg10 : memref<!tpu.dma_semaphore, #tpu.memory_space<semaphore_mem>>)
    %dma_start3A_133 = tpu.memref_slice %arg4[%mul3A_97] : memref<51200000xf32, #tpu.memory_space<hbm>> -> memref<100000xf32, #tpu.memory_space<hbm>>
    %dma_start3A_134 = tpu.memref_slice %arg4[%mul3A_97] : memref<51200000xf32, #tpu.memory_space<hbm>> -> memref<100000xf32, #tpu.memory_space<hbm>>
    tpu.enqueue_dma source(%arg5 : memref<100000xf32, #tpu.memory_space<vmem>>) target(%dma_start3A_134 : memref<100000xf32, #tpu.memory_space<hbm>>) target_semaphore(%arg10 : memref<!tpu.dma_semaphore, #tpu.memory_space<semaphore_mem>>)
    %dma_start3A_135 = tpu.memref_slice %arg4[%mul3A_101] : memref<51200000xf32, #tpu.memory_space<hbm>> -> memref<100000xf32, #tpu.memory_space<hbm>>
    %dma_start3A_136 = tpu.memref_slice %arg4[%mul3A_101] : memref<51200000xf32, #tpu.memory_space<hbm>> -> memref<100000xf32, #tpu.memory_space<hbm>>
    tpu.enqueue_dma source(%arg5 : memref<100000xf32, #tpu.memory_space<vmem>>) target(%dma_start3A_136 : memref<100000xf32, #tpu.memory_space<hbm>>) target_semaphore(%arg10 : memref<!tpu.dma_semaphore, #tpu.memory_space<semaphore_mem>>)
    %dma_start3A_137 = tpu.memref_slice %arg4[%mul3A_105] : memref<51200000xf32, #tpu.memory_space<hbm>> -> memref<100000xf32, #tpu.memory_space<hbm>>
    %dma_start3A_138 = tpu.memref_slice %arg4[%mul3A_105] : memref<51200000xf32, #tpu.memory_space<hbm>> -> memref<100000xf32, #tpu.memory_space<hbm>>
    tpu.enqueue_dma source(%arg5 : memref<100000xf32, #tpu.memory_space<vmem>>) target(%dma_start3A_138 : memref<100000xf32, #tpu.memory_space<hbm>>) target_semaphore(%arg10 : memref<!tpu.dma_semaphore, #tpu.memory_space<semaphore_mem>>)
    %dma_start3A_139 = tpu.memref_slice %arg4[%mul3A_109] : memref<51200000xf32, #tpu.memory_space<hbm>> -> memref<100000xf32, #tpu.memory_space<hbm>>
    %dma_start3A_140 = tpu.memref_slice %arg4[%mul3A_109] : memref<51200000xf32, #tpu.memory_space<hbm>> -> memref<100000xf32, #tpu.memory_space<hbm>>
    tpu.enqueue_dma source(%arg5 : memref<100000xf32, #tpu.memory_space<vmem>>) target(%dma_start3A_140 : memref<100000xf32, #tpu.memory_space<hbm>>) target_semaphore(%arg10 : memref<!tpu.dma_semaphore, #tpu.memory_space<semaphore_mem>>)
    %dma_wait3A = tpu.memref_slice %arg4[%mul3A_49] : memref<51200000xf32, #tpu.memory_space<hbm>> -> memref<100000xf32, #tpu.memory_space<hbm>>
    %dma_wait3A_141 = tpu.memref_slice %arg4[%mul3A_49] : memref<51200000xf32, #tpu.memory_space<hbm>> -> memref<100000xf32, #tpu.memory_space<hbm>>
    tpu.wait_dma2 semaphore(%arg10 : memref<!tpu.dma_semaphore, #tpu.memory_space<semaphore_mem>>) src(%arg5 : memref<100000xf32, #tpu.memory_space<vmem>>) dst(%dma_wait3A_141 : memref<100000xf32, #tpu.memory_space<hbm>>)
    %dma_wait3A_142 = tpu.memref_slice %arg4[%mul3A_53] : memref<51200000xf32, #tpu.memory_space<hbm>> -> memref<100000xf32, #tpu.memory_space<hbm>>
    %dma_wait3A_143 = tpu.memref_slice %arg4[%mul3A_53] : memref<51200000xf32, #tpu.memory_space<hbm>> -> memref<100000xf32, #tpu.memory_space<hbm>>
    tpu.wait_dma2 semaphore(%arg10 : memref<!tpu.dma_semaphore, #tpu.memory_space<semaphore_mem>>) src(%arg5 : memref<100000xf32, #tpu.memory_space<vmem>>) dst(%dma_wait3A_143 : memref<100000xf32, #tpu.memory_space<hbm>>)
    %dma_wait3A_144 = tpu.memref_slice %arg4[%mul3A_57] : memref<51200000xf32, #tpu.memory_space<hbm>> -> memref<100000xf32, #tpu.memory_space<hbm>>
    %dma_wait3A_145 = tpu.memref_slice %arg4[%mul3A_57] : memref<51200000xf32, #tpu.memory_space<hbm>> -> memref<100000xf32, #tpu.memory_space<hbm>>
    tpu.wait_dma2 semaphore(%arg10 : memref<!tpu.dma_semaphore, #tpu.memory_space<semaphore_mem>>) src(%arg5 : memref<100000xf32, #tpu.memory_space<vmem>>) dst(%dma_wait3A_145 : memref<100000xf32, #tpu.memory_space<hbm>>)
    %dma_wait3A_146 = tpu.memref_slice %arg4[%mul3A_61] : memref<51200000xf32, #tpu.memory_space<hbm>> -> memref<100000xf32, #tpu.memory_space<hbm>>
    %dma_wait3A_147 = tpu.memref_slice %arg4[%mul3A_61] : memref<51200000xf32, #tpu.memory_space<hbm>> -> memref<100000xf32, #tpu.memory_space<hbm>>
    tpu.wait_dma2 semaphore(%arg10 : memref<!tpu.dma_semaphore, #tpu.memory_space<semaphore_mem>>) src(%arg5 : memref<100000xf32, #tpu.memory_space<vmem>>) dst(%dma_wait3A_147 : memref<100000xf32, #tpu.memory_space<hbm>>)
    %dma_wait3A_148 = tpu.memref_slice %arg4[%mul3A_65] : memref<51200000xf32, #tpu.memory_space<hbm>> -> memref<100000xf32, #tpu.memory_space<hbm>>
    %dma_wait3A_149 = tpu.memref_slice %arg4[%mul3A_65] : memref<51200000xf32, #tpu.memory_space<hbm>> -> memref<100000xf32, #tpu.memory_space<hbm>>
    tpu.wait_dma2 semaphore(%arg10 : memref<!tpu.dma_semaphore, #tpu.memory_space<semaphore_mem>>) src(%arg5 : memref<100000xf32, #tpu.memory_space<vmem>>) dst(%dma_wait3A_149 : memref<100000xf32, #tpu.memory_space<hbm>>)
    %dma_wait3A_150 = tpu.memref_slice %arg4[%mul3A_69] : memref<51200000xf32, #tpu.memory_space<hbm>> -> memref<100000xf32, #tpu.memory_space<hbm>>
    %dma_wait3A_151 = tpu.memref_slice %arg4[%mul3A_69] : memref<51200000xf32, #tpu.memory_space<hbm>> -> memref<100000xf32, #tpu.memory_space<hbm>>
    tpu.wait_dma2 semaphore(%arg10 : memref<!tpu.dma_semaphore, #tpu.memory_space<semaphore_mem>>) src(%arg5 : memref<100000xf32, #tpu.memory_space<vmem>>) dst(%dma_wait3A_151 : memref<100000xf32, #tpu.memory_space<hbm>>)
    %dma_wait3A_152 = tpu.memref_slice %arg4[%mul3A_73] : memref<51200000xf32, #tpu.memory_space<hbm>> -> memref<100000xf32, #tpu.memory_space<hbm>>
    %dma_wait3A_153 = tpu.memref_slice %arg4[%mul3A_73] : memref<51200000xf32, #tpu.memory_space<hbm>> -> memref<100000xf32, #tpu.memory_space<hbm>>
    tpu.wait_dma2 semaphore(%arg10 : memref<!tpu.dma_semaphore, #tpu.memory_space<semaphore_mem>>) src(%arg5 : memref<100000xf32, #tpu.memory_space<vmem>>) dst(%dma_wait3A_153 : memref<100000xf32, #tpu.memory_space<hbm>>)
    %dma_wait3A_154 = tpu.memref_slice %arg4[%mul3A_77] : memref<51200000xf32, #tpu.memory_space<hbm>> -> memref<100000xf32, #tpu.memory_space<hbm>>
    %dma_wait3A_155 = tpu.memref_slice %arg4[%mul3A_77] : memref<51200000xf32, #tpu.memory_space<hbm>> -> memref<100000xf32, #tpu.memory_space<hbm>>
    tpu.wait_dma2 semaphore(%arg10 : memref<!tpu.dma_semaphore, #tpu.memory_space<semaphore_mem>>) src(%arg5 : memref<100000xf32, #tpu.memory_space<vmem>>) dst(%dma_wait3A_155 : memref<100000xf32, #tpu.memory_space<hbm>>)
    %dma_wait3A_156 = tpu.memref_slice %arg4[%mul3A_81] : memref<51200000xf32, #tpu.memory_space<hbm>> -> memref<100000xf32, #tpu.memory_space<hbm>>
    %dma_wait3A_157 = tpu.memref_slice %arg4[%mul3A_81] : memref<51200000xf32, #tpu.memory_space<hbm>> -> memref<100000xf32, #tpu.memory_space<hbm>>
    tpu.wait_dma2 semaphore(%arg10 : memref<!tpu.dma_semaphore, #tpu.memory_space<semaphore_mem>>) src(%arg5 : memref<100000xf32, #tpu.memory_space<vmem>>) dst(%dma_wait3A_157 : memref<100000xf32, #tpu.memory_space<hbm>>)
    %dma_wait3A_158 = tpu.memref_slice %arg4[%mul3A_85] : memref<51200000xf32, #tpu.memory_space<hbm>> -> memref<100000xf32, #tpu.memory_space<hbm>>
    %dma_wait3A_159 = tpu.memref_slice %arg4[%mul3A_85] : memref<51200000xf32, #tpu.memory_space<hbm>> -> memref<100000xf32, #tpu.memory_space<hbm>>
    tpu.wait_dma2 semaphore(%arg10 : memref<!tpu.dma_semaphore, #tpu.memory_space<semaphore_mem>>) src(%arg5 : memref<100000xf32, #tpu.memory_space<vmem>>) dst(%dma_wait3A_159 : memref<100000xf32, #tpu.memory_space<hbm>>)
    %dma_wait3A_160 = tpu.memref_slice %arg4[%mul3A_89] : memref<51200000xf32, #tpu.memory_space<hbm>> -> memref<100000xf32, #tpu.memory_space<hbm>>
    %dma_wait3A_161 = tpu.memref_slice %arg4[%mul3A_89] : memref<51200000xf32, #tpu.memory_space<hbm>> -> memref<100000xf32, #tpu.memory_space<hbm>>
    tpu.wait_dma2 semaphore(%arg10 : memref<!tpu.dma_semaphore, #tpu.memory_space<semaphore_mem>>) src(%arg5 : memref<100000xf32, #tpu.memory_space<vmem>>) dst(%dma_wait3A_161 : memref<100000xf32, #tpu.memory_space<hbm>>)
    %dma_wait3A_162 = tpu.memref_slice %arg4[%mul3A_93] : memref<51200000xf32, #tpu.memory_space<hbm>> -> memref<100000xf32, #tpu.memory_space<hbm>>
    %dma_wait3A_163 = tpu.memref_slice %arg4[%mul3A_93] : memref<51200000xf32, #tpu.memory_space<hbm>> -> memref<100000xf32, #tpu.memory_space<hbm>>
    tpu.wait_dma2 semaphore(%arg10 : memref<!tpu.dma_semaphore, #tpu.memory_space<semaphore_mem>>) src(%arg5 : memref<100000xf32, #tpu.memory_space<vmem>>) dst(%dma_wait3A_163 : memref<100000xf32, #tpu.memory_space<hbm>>)
    %dma_wait3A_164 = tpu.memref_slice %arg4[%mul3A_97] : memref<51200000xf32, #tpu.memory_space<hbm>> -> memref<100000xf32, #tpu.memory_space<hbm>>
    %dma_wait3A_165 = tpu.memref_slice %arg4[%mul3A_97] : memref<51200000xf32, #tpu.memory_space<hbm>> -> memref<100000xf32, #tpu.memory_space<hbm>>
    tpu.wait_dma2 semaphore(%arg10 : memref<!tpu.dma_semaphore, #tpu.memory_space<semaphore_mem>>) src(%arg5 : memref<100000xf32, #tpu.memory_space<vmem>>) dst(%dma_wait3A_165 : memref<100000xf32, #tpu.memory_space<hbm>>)
    %dma_wait3A_166 = tpu.memref_slice %arg4[%mul3A_101] : memref<51200000xf32, #tpu.memory_space<hbm>> -> memref<100000xf32, #tpu.memory_space<hbm>>
    %dma_wait3A_167 = tpu.memref_slice %arg4[%mul3A_101] : memref<51200000xf32, #tpu.memory_space<hbm>> -> memref<100000xf32, #tpu.memory_space<hbm>>
    tpu.wait_dma2 semaphore(%arg10 : memref<!tpu.dma_semaphore, #tpu.memory_space<semaphore_mem>>) src(%arg5 : memref<100000xf32, #tpu.memory_space<vmem>>) dst(%dma_wait3A_167 : memref<100000xf32, #tpu.memory_space<hbm>>)
    %dma_wait3A_168 = tpu.memref_slice %arg4[%mul3A_105] : memref<51200000xf32, #tpu.memory_space<hbm>> -> memref<100000xf32, #tpu.memory_space<hbm>>
    %dma_wait3A_169 = tpu.memref_slice %arg4[%mul3A_105] : memref<51200000xf32, #tpu.memory_space<hbm>> -> memref<100000xf32, #tpu.memory_space<hbm>>
    tpu.wait_dma2 semaphore(%arg10 : memref<!tpu.dma_semaphore, #tpu.memory_space<semaphore_mem>>) src(%arg5 : memref<100000xf32, #tpu.memory_space<vmem>>) dst(%dma_wait3A_169 : memref<100000xf32, #tpu.memory_space<hbm>>)
    %dma_wait3A_170 = tpu.memref_slice %arg4[%mul3A_109] : memref<51200000xf32, #tpu.memory_space<hbm>> -> memref<100000xf32, #tpu.memory_space<hbm>>
    %dma_wait3A_171 = tpu.memref_slice %arg4[%mul3A_109] : memref<51200000xf32, #tpu.memory_space<hbm>> -> memref<100000xf32, #tpu.memory_space<hbm>>
    tpu.wait_dma2 semaphore(%arg10 : memref<!tpu.dma_semaphore, #tpu.memory_space<semaphore_mem>>) src(%arg5 : memref<100000xf32, #tpu.memory_space<vmem>>) dst(%dma_wait3A_171 : memref<100000xf32, #tpu.memory_space<hbm>>)
    %dma_start3A_172 = arith.constant 0 : i32
    %dma_start3A_173 = tpu.memref_slice %arg4[%dma_start3A_172] : memref<51200000xf32, #tpu.memory_space<hbm>> -> memref<51200000xf32, #tpu.memory_space<hbm>>
    tpu.enqueue_indirect_dma source(%arg8 : memref<16xf32, #tpu.memory_space<vmem>>) target(%dma_start3A_173 : memref<51200000xf32, #tpu.memory_space<hbm>>) offsets(%arg9 : memref<16xi32, #tpu.memory_space<vmem>>) semaphore(%arg11 : memref<!tpu.dma_semaphore, #tpu.memory_space<semaphore_mem>>)
    %dma_wait3A_174 = arith.constant 0 : i32
    %dma_wait3A_175 = tpu.memref_slice %arg4[%dma_wait3A_174] : memref<51200000xf32, #tpu.memory_space<hbm>> -> memref<51200000xf32, #tpu.memory_space<hbm>>
    tpu.wait_indirect_dma semaphore(%arg11 : memref<!tpu.dma_semaphore, #tpu.memory_space<semaphore_mem>>) src(%arg8 : memref<16xf32, #tpu.memory_space<vmem>>) dst(%dma_wait3A_175 : memref<51200000xf32, #tpu.memory_space<hbm>>)
    return
  }
}

</mosaic_0001>

<sc_bundles>
// kernel: kernel.3.cloned.1.call-start
scs
__scs_entry_jumppad:
0x0: {  	(pc) =	sbr.rel $0x88, $3  }
0x1: {  	(tag) =	ssettag $0x0;
	lr =	simm.s32 $0x1  }
0x2: {  	[smem:$0x3F9F] =	sst lr;
	_ =	strace $0xD0000000  }
0x3: {  	_ = 	snop  }
0x4: {  	_ = 	snop  }
0x5: {  	_ = 	snop  }
0x6: {  	_ = 	snop  }
0x7: {  	_ = 	snop  }
__scs_overlays_trampoline_lowered:
0x8: {  	[smem:$0x3FAE] =	sst s0  }
0x9: {  	[smem:$0x3FAF] =	sst s1  }
0xa: {  	[smem:$0x3FB0] =	sst s2  }
0xb: {  	[smem:$0x3FB1] =	sst s3  }
0xc: {  	[smem:$0x3FB2] =	sst s4  }
0xd: {  	[smem:$0x3FB3] =	sst s5  }
0xe: {  	[smem:$0x3FB4] =	sst s6  }
0xf: {  	[smem:$0x3FB5] =	sst s7  }
0x10: {  	[smem:$0x3FB6] =	sst s8  }
0x11: {  	[smem:$0x3FB7] =	sst s9;
	s0 =	simm.s32 @!p0 $0x0  }
0x12: {  	s1 =	sld [smem:$0x3F9D];
	s0 =	simm.s32 @p0 $0x1  }
0x13: {  	[smem:$0x3FB8] =	sst s0;
	s0 =	simm.s32 @!p1 $0x0  }
0x14: {  	s2 =	sld [smem:$0x3F9C];
	s0 =	simm.s32 @p1 $0x1  }
0x15: {  	[smem:$0x3FB9] =	sst s0;
	s0 =	simm.s32 @!p2 $0x0  }
0x16: {  	s3 =	sld [smem:$0x3FDB];
	s0 =	simm.s32 @p2 $0x1  }
0x17: {  	s4 =	simm.s32 $0x1BF5;
	[smem:$0x3FBB] =	sst s0  }
0x18: {  	s0 =	sld [smem:$0x3F9E];
	_ =	swait.ge [sflag:s4], $0x0  }
0x19: {  	s7 =	sld [smem:$0x3F9F]  }
0x1a: {  	s8 =	sadd.s32 $0xFFFFE003, lr  }
0x1b: {  	s9 =	sadd.s32 $0xFFFFFEF7, lr;
	s5 =	simm.s32 $0xFFFFFFFF;
	p2 =	slt.u32 s8, $0xFFFFF086  }
0x1c: {  	p1 =	slt.u32 s9, $0xF7A;
	s5 =	simm.s32 @!p2 $0x0  }
0x1d: {  	s5 =	simm.s32 @p1 $0x1;
	p0 =	seq.s32 s7, s2  }
0x1e: {  	s7 =	smul.u32 @!p0 $0xF7A, s2;
	p2 =	seq.s32 @!p0 s5, $0x0  }
0x1f: {  	s9 =	smul.u32 $0xF7A, s1;
	s8 =	simm.s32 @!p0 $0x1BF5;
	p2 =	por !p2, p0  }
0x20: {  	[sflag:s8] =	ssyncset.s32 @!p0 $0xFFFFF086;
	s6 =	sadd.s32 @!p0 s3, s7;
	s7 =	simm.s32 @!p0 $0x108  }
0x21: {  	s3 =	sadd.s32 s3, s9;
	s6 =	sadd.s32 @!p0 $0x88, s6;
	s7 =	simm.s32 @p2 $0x1082  }
0x22: {  	[simem:s7], [sflag:s8] =	dma.local @!p0 [hbm:s6], $0xF7A  }
0x23: {  	s9 =	sor.u32 $0xD0000000, s2;
	s6 =	simm.s32 $0x108;
	_ =	swait.ge @!p0 [sflag:s8], $0x0  }
0x24: {  	s3 =	sadd.s32 $0x88, s3;
	s6 =	simm.s32 @!p1 $0x1082;
	[sflag:s4] =	ssyncset.s32 $0xFFFFF086  }
0x25: {  	[simem:s6], [sflag:s4] =	dma.local [hbm:s3], $0xF7A  }
0x26: {  	[smem:$0x3F9F] =	sst s1;
	(tag) =	ssettag s2;
	_ =	strace s9  }
0x27: {  	s1 =	sld [smem:$0x3FAF]  }
0x28: {  	s2 =	sld [smem:$0x3FB0]  }
0x29: {  	s4 =	sld [smem:$0x3FB2]  }
0x2a: {  	p0 =	seq.s32 s5, $0x0;
	s5 =	sld [smem:$0x3FB3]  }
0x2b: {  	s6 =	sld [smem:$0x3FB4]  }
0x2c: {  	s7 =	sld [smem:$0x3FB5]  }
0x2d: {  	s3 =	simm.s32 $0x108;
	s8 =	sld [smem:$0x3FB6]  }
0x2e: {  	s3 =	simm.s32 @!p0 $0x1082;
	s9 =	sld [smem:$0x3FB7]  }
0x2f: {  	lr =	sadd.s32 s0, s3;
	s0 =	sld [smem:$0x3FAE]  }
0x30: {  	s3 =	sld [smem:$0x3FB1]  }
0x31: {  	[smem:$0x3FBA] =	sst s10  }
0x32: {  	s10 =	sld [smem:$0x3FB8];
	_ =	sdelay $0x3  }
0x33: {  	p0 =	seq.s32 s10, $0x1;
	s10 =	sld [smem:$0x3FBA];
	_ =	sdelay $0x3  }
0x34: {  	[smem:$0x3FBA] =	sst s10  }
0x35: {  	s10 =	sld [smem:$0x3FB9];
	_ =	sdelay $0x3  }
0x36: {  	p1 =	seq.s32 s10, $0x1;
	s10 =	sld [smem:$0x3FBA];
	_ =	sdelay $0x3  }
0x37: {  	[smem:$0x3FBA] =	sst s10  }
0x38: {  	s10 =	sld [smem:$0x3FBB]  }
0x39: {  	_ = 	snop;
	(pc) =	sbr.ind lr, $3  }
0x3a: {  	_ = 	snop  }
0x3b: {  	_ = 	snop  }
0x3c: {  	p2 =	seq.s32 s10, $0x1;
	s10 =	sld [smem:$0x3FBA]  }
0x3d: {  	_ =	shalt  }
0x3e: {  	_ =	shalt  }
0x3f: {  	_ =	shalt  }
0x40: {  	_ =	shalt  }
0x41: {  	_ =	shalt  }
0x42: {  	_ =	shalt  }
0x43: {  	_ =	shalt  }
0x44: {  	_ =	shalt  }
0x45: {  	_ =	shalt  }
0x46: {  	_ =	shalt  }
0x47: {  	_ =	shalt  }
0x48: {  	_ =	shalt  }
0x49: {  	_ =	shalt  }
0x4a: {  	_ =	shalt  }
0x4b: {  	_ =	shalt  }
0x4c: {  	_ =	shalt  }
0x4d: {  	_ =	shalt  }
0x4e: {  	_ =	shalt  }
0x4f: {  	_ =	shalt  }
0x50: {  	_ =	shalt  }
0x51: {  	_ =	shalt  }
0x52: {  	_ =	shalt  }
0x53: {  	_ =	shalt  }
0x54: {  	_ =	shalt  }
0x55: {  	_ =	shalt  }
0x56: {  	_ =	shalt  }
0x57: {  	_ =	shalt  }
0x58: {  	_ =	shalt  }
0x59: {  	_ =	shalt  }
0x5a: {  	_ =	shalt  }
0x5b: {  	_ =	shalt  }
0x5c: {  	_ =	shalt  }
0x5d: {  	_ =	shalt  }
0x5e: {  	_ =	shalt  }
0x5f: {  	_ =	shalt  }
0x60: {  	_ =	shalt  }
0x61: {  	_ =	shalt  }
0x62: {  	_ =	shalt  }
0x63: {  	_ =	shalt  }
0x64: {  	_ =	shalt  }
0x65: {  	_ =	shalt  }
0x66: {  	_ =	shalt  }
0x67: {  	_ =	shalt  }
0x68: {  	_ =	shalt  }
0x69: {  	_ =	shalt  }
0x6a: {  	_ =	shalt  }
0x6b: {  	_ =	shalt  }
0x6c: {  	_ =	shalt  }
0x6d: {  	_ =	shalt  }
0x6e: {  	_ =	shalt  }
0x6f: {  	_ =	shalt  }
0x70: {  	_ =	shalt  }
0x71: {  	_ =	shalt  }
0x72: {  	_ =	shalt  }
0x73: {  	_ =	shalt  }
0x74: {  	_ =	shalt  }
0x75: {  	_ =	shalt  }
0x76: {  	_ =	shalt  }
0x77: {  	_ =	shalt  }
0x78: {  	_ =	shalt  }
0x79: {  	_ =	shalt  }
0x7a: {  	_ =	shalt  }
0x7b: {  	_ =	shalt  }
0x7c: {  	_ =	shalt  }
0x7d: {  	_ =	shalt  }
0x7e: {  	_ =	shalt  }
0x7f: {  	_ =	shalt  }
0x80: {  	_ =	shalt  }
0x81: {  	_ =	shalt  }
0x82: {  	_ =	shalt  }
0x83: {  	_ =	shalt  }
0x84: {  	_ =	shalt  }
0x85: {  	_ =	shalt  }
0x86: {  	_ =	shalt  }
0x87: {  	_ =	shalt  }
.Lfunc_end0:
.L_simem_size_0:
called_computation_lowered:
.L_overlay_start_0:
0x88: {  	s2 =	sld [smem:$0x3FD9]  }
0x89: {  	s3 =	sld [smem:$0x3FFE];
	_ =	sdelay $0x1  }
0x8a: {  	s1 =	srdreg.scid  }
0x8b: {  	s0 =	sand.u32 $0x1, s1  }
0x8c: {  	s17 =	sshll.u32 s0, $0xA;
	s2 =	sadd.s32 s3, s2  }
0x8d: {  	s2 =	sadd.s32 s2, s17  }
0x8e: {  	[smem:$0x3FC6] =	sst s2  }
0x8f: {  	_ = 	snop  }
0x90: {  	s2 =	sld [smem:$0x3FD0];
	(tm) =	ssettm $0x1  }
0x91: {  	s18 =	sld [smem:$0x3FFB];
	_ =	sdelay $0x3  }
0x92: {  	_ =	strace s18  }
0x93: {  	s3 =	sld [smem:$0x3FFC];
	_ =	sdelay $0x3  }
0x94: {  	_ =	strace s3  }
0x95: {  	s3 =	sld [smem:$0x3FFD];
	_ =	sdelay $0x3  }
0x96: {  	_ =	strace s3  }
0x97: {  	_ =	strace $0x8FFFFFFF  }
0x98: {  	s19 =	sld [smem:$0x3FDB];
	_ =	sdelay $0x1  }
0x99: {  	s4 =	simm.s32 $_scs_section_size  }
0x9a: {  	s5 =	simm.s32 $_size__tile_overlayer_lowered;
	s6 =	simm.s32 $_tile_overlayer_lowered  }
0x9b: {  	s22 =	simm.s32 $0x1BFF;
	s21 =	sshll.u32 s6, $0x1;
	s3 =	sadd.s32 s4, s19  }
0x9c: {  	s7 =	simm.s32 $0x0;
	s20 =	sshll.u32 s5, $0x1;
	s5 =	sadd.s32 s21, s3  }
0x9d: {  	[timem:s7], [sflag:s22] =	dma.local [hbm:s5], s20  }
0x9e: {  	_ =	swait.ge [sflag:s22], s20  }
0x9f: {  	s4 =	ssub.s32 $0x0, s20;
	[sflag:s22] =	ssyncset.done $0x0  }
0xa0: {  	[sflag:s22] =	ssyncadd.s32 s4;
	_ =	sdelay $0x1  }
0xa1: {  	s23 =	simm.s32 $0x1B8B  }
0xa2: {  	_ =	swait.ge [sflag:s23], $0x1  }
0xa3: {  	[sflag:s23] =	ssyncset.done $0x0  }
0xa4: {  	s25 =	simm.s32 $0x1B8E;
	s24 =	sld [smem:$0x3FFE];
	[sflag:s23] =	ssyncadd.s32 $0xFFFFFFFF  }
0xa5: {  	s26 =	simm.s32 $execute0_lowered;
	[smem:$0x3FD2] =	sst s25  }
0xa6: {  	s5 =	sshll.u32 s26, $0x1;
	_ =	strace $0x80000046;
	[dreg:$0x1] =	wrdreg $0xFFFFFFFF  }
0xa7: {  	s28 =	simm.s32 $_size_execute0_lowered;
	s3 =	sadd.s32 s3, s5;
	[dreg:$0x0] =	wrdreg $0x0  }
0xa8: {  	s5 =	sshll.u32 s28, $0x1;
	[dreg:$0x2] =	wrdreg s3  }
0xa9: {  	[dreg:$0x3] =	wrdreg s5  }
0xaa: {  	[dreg:$0x4] =	wrdreg $0xC0  }
0xab: {  	_ =	task [dreg:s7], $0x5FFFF  }
0xac: {  	[dreg:$0x1] =	wrdreg $0xFFFFFFFF  }
0xad: {  	[dreg:$0x0] =	wrdreg $0x60  }
0xae: {  	[dreg:$0x2] =	wrdreg s2  }
0xaf: {  	[dreg:$0x3] =	wrdreg s24  }
0xb0: {  	[dreg:$0x4] =	wrdreg $0x9  }
0xb1: {  	_ =	task.clear_ibuf [dreg:s7], $0x5FFFF;
	_ =	strace $0x90000046  }
0xb2: {  	s29 =	simm.s32 $0x9;
	_ =	strace $0x80000048  }
0xb3: {  	_ =	swait.ge [sflag:s29], $0x1  }
0xb4: {  	[sflag:s29] =	ssyncadd.s32 $0xFFFFFFFF  }
0xb5: {  	_ =	strace $0x90000048  }
0xb6: {  	_ =	sfence  }
0xb7: {  	s30 =	sld [smem:$0x0];
	_ =	sdelay $0x2  }
0xb8: {  	s31 =	sshll.u32 s1, $0xD;
	s1 =	sshrl.u32 s1, $0x2  }
0xb9: {  	s3 =	sand.u32 $0x4000, s31;
	s1 =	sadd.s32 s1, s30  }
0xba: {  	s0 =	sor.u32 s3, s0;
	s1 =	sshll.u32 s1, $0x11  }
0xbb: {  	s0 =	sor.u32 s1, s0  }
0xbc: {  	s0 =	sadd.s32 $0x8F2B, s0  }
0xbd: {  	[sflag:s0] =	ssyncadd.remote.s32 $0x1  }
0xbe: {  	_ =	sfence.sel $0xFFFF  }
0xbf: {  	[dreg:$0x0] =	wrdreg $0xFFFFFFFF;
	(pc) =	sbr.abs _section_cstart, $3  }
0xc0: {  	[dreg:$0x1] =	wrdreg $0xFFFFFFFF  }
0xc1: {  	_ =	task.clear_ibuf [dreg:s7], $0x2FFFF;
	_ =	strace $0x9FFFFFFF  }
0xc2: {  	(tm) =	ssettm $0x7FFFFFFF  }
0xc3: {  	_ =	shalt  }
tec
execute0_lowered:
.L_overlay_start_1:
0x0: {  	(tag) =	ssettag $0x1  }
0x1: {  	s0 =	rddreg [dreg:$0x0]  }
0x2: {  	s1 =	rddreg [dreg:$0x1];
	s2 =	simm.s32 $0x0  }
0x3: {  	s3 =	srdreg.scid;
	s4 =	stileid.u32;
	s28 =	simm.s32 $0x10  }
0x4: {  	s29 =	simm.s32 $0x18880;
	s30 =	simm.s32 $0x18800;
	s31 =	simm.s32 $0x2  }
0x5: {  	[smem:$0x7FF] =	sst s2;
	s3 =	sand.u32 $0x1, s3;
	s4 =	sshll.u32 s4, $0x1  }
0x6: {  	_ =	strace $0x80000047;
	s4 =	sor.u32 s3, s4;
	s6 =	ssub.s32 $0x2, s3  }
0x7: {  	s3 =	sadd.s32 $0x600, s1;
	s5 =	sshll.u32 s4, $0x1;
	s7 =	smul.u32 $0x186A00, s4  }
0x8: {  	s24 =	sshrl.u32 s6, $0x1;
	s25 =	smul.u32 $0x30D40, s4;
	s14 =	sshll.u32 s4, $0x4  }
0x9: {  	s8 =	sadd.s32 s5, s1;
	s1 =	ssub.s32 s6, s24;
	s4 =	sadd.s32 s0, s5  }
0xa: {  	s24 =	simm.s32 $0x3;
	s0 =	simm.s32 $0x0;
	s7 =	sshrl.u32 s7, $0x3  }
0xb: {  	s5 =	sadd.s32 $0x400, s8;
	s6 =	sadd.s32 s3, s25;
	s26 =	sadd.s32 s3, s7  }
0xc: {  	v0 =	vmov s14;
	s22 =	smax.u32 s1, $0x1;
	s25 =	simm.s32 $0x18780;
	s7 =	sadd.s32 $0x30D4, s26  }
0xd: {  	v0 =	vmul.u32 $0x186A0, v0;
	s8 =	sadd.s32 $0x61A8, s26;
	s9 =	sadd.s32 $0x927C, s26;
	s10 =	sadd.s32 $0xC350, s26  }
0xe: {  	v1 =	vlaneseq.u32;
	s11 =	sadd.s32 $0xF424, s26;
	s12 =	sadd.s32 $0x124F8, s26;
	s13 =	sadd.s32 $0x155CC, s26  }
0xf: {  	v1 =	vmul.u32 $0x186A0, v1;
	s14 =	sadd.s32 $0x186A0, s26;
	s15 =	sadd.s32 $0x1B774, s26;
	s16 =	sadd.s32 $0x1E848, s26;
	v0 =	vbroadcast v0, $0x0  }
0x10: {  	s17 =	sadd.s32 $0x2191C, s26;
	s18 =	sadd.s32 $0x249F0, s26;
	s19 =	sadd.s32 $0x27AC4, s26  }
0x11: {  	s20 =	sadd.s32 $0x2AB98, s26;
	s21 =	sadd.s32 $0x2DC6C, s26;
	s26 =	simm.s32 $0x1;
	v0 =	vadd.s32 v1, v0;
	v1 =	vimm.f32 $-5.000000000e+01  }
.LBB2_1:
0x12: {  	s1 =	simm.s32 $0x18700  }
0x13: {  	[tilespmem:s1], [sflag:$0x3] =	stream.linear.gather [hbm4b:s4+s2], $0x10, $0x38;
	[tilespmem:$0x18900] =	vst v63  }
0x14: {  	_ =	swait.ge [sflag:s24], $0x10  }
0x15: {  	[sflag:s24] =	ssyncset.done $0x0  }
0x16: {  	[sflag:s24] =	ssyncadd.s32 $0xFFFFFFF0  }
0x17: {  	[tilespmem:s25], [sflag:$0x3] =	stream.linear.gather [hbm4b:s5+s2], $0x10, $0x38;
	[tilespmem:$0x18900] =	vst v63  }
0x18: {  	_ =	swait.ge [sflag:s24], $0x10  }
0x19: {  	[sflag:s24] =	ssyncset.done $0x0  }
0x1a: {  	s1 =	simm.s32 $0x40;
	[sflag:s24] =	ssyncadd.s32 $0xFFFFFFF0  }
0x1b: {  	[tilespmem:s1+$0xFFFFFFC0] =	vst v1  }
0x1c: {  	[tilespmem:s1+$0x30] =	vst v1  }
0x1d: {  	[tilespmem:s1+$0x20] =	vst v1  }
0x1e: {  	[tilespmem:s1+$0x10] =	vst v1  }
0x1f: {  	[tilespmem:s1+$0x0] =	vst v1  }
0x20: {  	[tilespmem:s1+$0xFFFFFFF0] =	vst v1  }
0x21: {  	s23 =	simm.s32 $0x0;
	[tilespmem:s1+$0xFFFFFFE0] =	vst v1  }
.LBB2_2:
0x22: {  	s23 =	sadd.s32 $0x8, s23;
	[tilespmem:s1+$0xFFFFFFD0] =	vst v1;
	s1 =	sadd.s32 $0x80, s1  }
0x23: {  	[tilespmem:s1+$0xFFFFFFC0] =	vst v1;
	p0 =	slt.u32 s23, $0x1860  }
0x24: {  	[tilespmem:s1+$0x30] =	vst v1  }
.Ltmp0:
0x25: {  	[tilespmem:s1+$0x20] =	vst v1;
	(pc) =	sbr.rel @p0 .LBB2_2-.Ltmp0, $4  }
0x26: {  	[tilespmem:s1+$0x10] =	vst v1  }
0x27: {  	[tilespmem:s1+$0x0] =	vst v1  }
0x28: {  	[tilespmem:s1+$0xFFFFFFF0] =	vst v1  }
0x29: {  	[tilespmem:s1+$0xFFFFFFE0] =	vst v1  }
0x2a: {  	[tilespmem:s1+$0xFFFFFFD0] =	vst v1  }
0x2b: {  	v2 =	vld [tilespmem:$0x18780];
	_ =	sdelay $0x1  }
0x2c: {  	v3 =	vld [tilespmem:$0x18700];
	_ =	sdelay $0x2  }
0x2d: {  	[tilespmem:$0x18680] =	vst v1;
	v2 =	vmul.f32 $5.000000000e+01, v2  }
0x2e: {  	[tilespmem:$0x18690] =	vst v1  }
0x2f: {  	[tilespmem:$0x18800] =	vst v2;
	v2 =	vadd.s32 v3, v0  }
0x30: {  	[tilespmem:$0x18880] =	vst v2  }
0x31: {  	[hbm4b:s6+s2] =	stream.linear.scatter [tilespmem:s2], [sflag:$0x1], $0x186A0, $0x38;
	[tilespmem:$0x18900] =	vst v63  }
0x32: {  	_ = 	snop  }
0x33: {  	[hbm4b:s7+s2] =	stream.linear.scatter [tilespmem:s2], [sflag:$0x1], $0x186A0, $0x38;
	[tilespmem:$0x18900] =	vst v63  }
0x34: {  	_ = 	snop  }
0x35: {  	[hbm4b:s8+s2] =	stream.linear.scatter [tilespmem:s2], [sflag:$0x1], $0x186A0, $0x38;
	[tilespmem:$0x18900] =	vst v63  }
0x36: {  	_ = 	snop  }
0x37: {  	[hbm4b:s9+s2] =	stream.linear.scatter [tilespmem:s2], [sflag:$0x1], $0x186A0, $0x38;
	[tilespmem:$0x18900] =	vst v63  }
0x38: {  	_ = 	snop  }
0x39: {  	[hbm4b:s10+s2] =	stream.linear.scatter [tilespmem:s2], [sflag:$0x1], $0x186A0, $0x38;
	[tilespmem:$0x18900] =	vst v63  }
0x3a: {  	_ = 	snop  }
0x3b: {  	[hbm4b:s11+s2] =	stream.linear.scatter [tilespmem:s2], [sflag:$0x1], $0x186A0, $0x38;
	[tilespmem:$0x18900] =	vst v63  }
0x3c: {  	_ = 	snop  }
0x3d: {  	[hbm4b:s12+s2] =	stream.linear.scatter [tilespmem:s2], [sflag:$0x1], $0x186A0, $0x38;
	[tilespmem:$0x18900] =	vst v63  }
0x3e: {  	_ = 	snop  }
0x3f: {  	[hbm4b:s13+s2] =	stream.linear.scatter [tilespmem:s2], [sflag:$0x1], $0x186A0, $0x38;
	[tilespmem:$0x18900] =	vst v63  }
0x40: {  	_ = 	snop  }
0x41: {  	[hbm4b:s14+s2] =	stream.linear.scatter [tilespmem:s2], [sflag:$0x1], $0x186A0, $0x38;
	[tilespmem:$0x18900] =	vst v63  }
0x42: {  	_ = 	snop  }
0x43: {  	[hbm4b:s15+s2] =	stream.linear.scatter [tilespmem:s2], [sflag:$0x1], $0x186A0, $0x38;
	[tilespmem:$0x18900] =	vst v63  }
0x44: {  	_ = 	snop  }
0x45: {  	[hbm4b:s16+s2] =	stream.linear.scatter [tilespmem:s2], [sflag:$0x1], $0x186A0, $0x38;
	[tilespmem:$0x18900] =	vst v63  }
0x46: {  	_ = 	snop  }
0x47: {  	[hbm4b:s17+s2] =	stream.linear.scatter [tilespmem:s2], [sflag:$0x1], $0x186A0, $0x38;
	[tilespmem:$0x18900] =	vst v63  }
0x48: {  	_ = 	snop  }
0x49: {  	[hbm4b:s18+s2] =	stream.linear.scatter [tilespmem:s2], [sflag:$0x1], $0x186A0, $0x38;
	[tilespmem:$0x18900] =	vst v63  }
0x4a: {  	_ = 	snop  }
0x4b: {  	[hbm4b:s19+s2] =	stream.linear.scatter [tilespmem:s2], [sflag:$0x1], $0x186A0, $0x38;
	[tilespmem:$0x18900] =	vst v63  }
0x4c: {  	_ = 	snop  }
0x4d: {  	[hbm4b:s20+s2] =	stream.linear.scatter [tilespmem:s2], [sflag:$0x1], $0x186A0, $0x38;
	[tilespmem:$0x18900] =	vst v63  }
0x4e: {  	_ = 	snop  }
0x4f: {  	[hbm4b:s21+s2] =	stream.linear.scatter [tilespmem:s2], [sflag:$0x1], $0x186A0, $0x38;
	[tilespmem:$0x18900] =	vst v63  }
0x50: {  	_ =	swait.ge [sflag:s26], $0x186A0  }
0x51: {  	[sflag:s26] =	ssyncset.done $0x0  }
0x52: {  	[sflag:s26] =	ssyncadd.s32 $0xFFFE7960  }
0x53: {  	_ =	swait.ge [sflag:s26], $0x186A0  }
0x54: {  	[sflag:s26] =	ssyncset.done $0x0  }
0x55: {  	[sflag:s26] =	ssyncadd.s32 $0xFFFE7960  }
0x56: {  	_ =	swait.ge [sflag:s26], $0x186A0  }
0x57: {  	[sflag:s26] =	ssyncset.done $0x0  }
0x58: {  	[sflag:s26] =	ssyncadd.s32 $0xFFFE7960  }
0x59: {  	_ =	swait.ge [sflag:s26], $0x186A0  }
0x5a: {  	[sflag:s26] =	ssyncset.done $0x0  }
0x5b: {  	[sflag:s26] =	ssyncadd.s32 $0xFFFE7960  }
0x5c: {  	_ =	swait.ge [sflag:s26], $0x186A0  }
0x5d: {  	[sflag:s26] =	ssyncset.done $0x0  }
0x5e: {  	[sflag:s26] =	ssyncadd.s32 $0xFFFE7960  }
0x5f: {  	_ =	swait.ge [sflag:s26], $0x186A0  }
0x60: {  	[sflag:s26] =	ssyncset.done $0x0  }
0x61: {  	[sflag:s26] =	ssyncadd.s32 $0xFFFE7960  }
0x62: {  	_ =	swait.ge [sflag:s26], $0x186A0  }
0x63: {  	[sflag:s26] =	ssyncset.done $0x0  }
0x64: {  	[sflag:s26] =	ssyncadd.s32 $0xFFFE7960  }
0x65: {  	_ =	swait.ge [sflag:s26], $0x186A0  }
0x66: {  	[sflag:s26] =	ssyncset.done $0x0  }
0x67: {  	[sflag:s26] =	ssyncadd.s32 $0xFFFE7960  }
0x68: {  	_ =	swait.ge [sflag:s26], $0x186A0  }
0x69: {  	[sflag:s26] =	ssyncset.done $0x0  }
0x6a: {  	[sflag:s26] =	ssyncadd.s32 $0xFFFE7960  }
0x6b: {  	_ =	swait.ge [sflag:s26], $0x186A0  }
0x6c: {  	[sflag:s26] =	ssyncset.done $0x0  }
0x6d: {  	[sflag:s26] =	ssyncadd.s32 $0xFFFE7960  }
0x6e: {  	_ =	swait.ge [sflag:s26], $0x186A0  }
0x6f: {  	[sflag:s26] =	ssyncset.done $0x0  }
0x70: {  	[sflag:s26] =	ssyncadd.s32 $0xFFFE7960  }
0x71: {  	_ =	swait.ge [sflag:s26], $0x186A0  }
0x72: {  	[sflag:s26] =	ssyncset.done $0x0  }
0x73: {  	[sflag:s26] =	ssyncadd.s32 $0xFFFE7960  }
0x74: {  	_ =	swait.ge [sflag:s26], $0x186A0  }
0x75: {  	[sflag:s26] =	ssyncset.done $0x0  }
0x76: {  	[sflag:s26] =	ssyncadd.s32 $0xFFFE7960  }
0x77: {  	_ =	swait.ge [sflag:s26], $0x186A0  }
0x78: {  	[sflag:s26] =	ssyncset.done $0x0  }
0x79: {  	[sflag:s26] =	ssyncadd.s32 $0xFFFE7960  }
0x7a: {  	_ =	swait.ge [sflag:s26], $0x186A0  }
0x7b: {  	[sflag:s26] =	ssyncset.done $0x0  }
0x7c: {  	[sflag:s26] =	ssyncadd.s32 $0xFFFE7960  }
0x7d: {  	s0 =	sadd.s32 $0x1, s0;
	_ =	swait.ge [sflag:s26], $0x186A0  }
0x7e: {  	p0 =	sne.s32 s0, s22;
	[sflag:s26] =	ssyncset.done $0x0  }
.Ltmp1:
0x7f: {  	[sflag:s26] =	ssyncadd.s32 $0xFFFE7960;
	(pc) =	sbr.rel @p0 .LBB2_1-.Ltmp1, $4  }
0x80: {  	[hbm4b:s3+s28] =	stream.indirect.scatter [tilespmem:s30], [sflag:$0x2], $0x1, s29, s28, $0xb8;
	[tilespmem:$0x18900] =	vst v63  }
0x81: {  	_ =	swait.ge [sflag:s31], $0x10  }
0x82: {  	[sflag:s31] =	ssyncset.done $0x0  }
0x83: {  	[sflag:s31] =	ssyncadd.s32 $0xFFFFFFF0  }
0x84: {  	_ =	sfence.sel $0x180000  }
0x85: {  	[bflag:$0x0] =	sbarrier.arrive $0xFFFF  }
0x86: {  	_ =	strace $0x90000047  }
0x87: {  	s0 =	stileid.u32;
	[bflag:$0x2] =	sbarrier.arrive $0xFFFF  }
0x88: {  	p0 =	sne.s32 s0, $0x0;
	s0 =	rddreg [dreg:$0x2]  }
0x89: {  	s0 =	sadd.s32 @!p0 $0x100000, s0  }
0x8a: {  	[sflag:s0] =	ssyncadd.tile.s32 @!p0 $0x1;
	_ =	shalt  }
.Lfunc_end2:
_tile_overlayer_lowered:
.L_overlay_start_2:
0x8b: {  	(tag) =	ssettag $0x2  }
0x8c: {  	s0 =	rddreg [dreg:$0x0];
	s2 =	stileid.u32  }
0x8d: {  	s1 =	rddreg [dreg:$0x1];
	p0 =	sne.s32 s2, $0x0  }
0x8e: {  	s3 =	rddreg [dreg:$0x2];
	[bflag:$0x3] =	sbarrier.arrive $0xFFFF;
	s2 =	simm.s32 @!p0 $0x1C03  }
0x8f: {  	[timem:s3], [sflag:s2] =	dma.local @!p0 [hbm:s0], s1  }
0x90: {  	s0 =	simm.s32 @!p0 $0x3  }
0x91: {  	_ =	swait.ge @!p0 [sflag:s0], s1  }
0x92: {  	s1 =	ssub.s32 @!p0 $0x0, s1;
	[sflag:s0] =	ssyncset.done @!p0 $0x0  }
0x93: {  	[sflag:s0] =	ssyncadd.s32 @!p0 s1  }
0x94: {  	[bflag:$0x3] =	sbarrier.arrive $0xFFFF  }
0x95: {  	_ =	shalt  }

</sc_bundles>
